<compile_context>
chip_gen: v7x
topology: tpu7x:2x2x1
jax: 0.10.2.dev20260603
libtpu: 0.0.44.dev20260713+nightly
codegen_flags: <defaults>
</compile_context>

<pallas_src>
import functools

import jax
import jax.numpy as jnp
from jax import lax
from jax.experimental import pallas as pl
from jax.experimental.pallas import tpu as pltpu
from jax.experimental.pallas import tpu_sc as plsc

NUM_EXAMP = 1000000
NUM_CLASSES = 100
ENC_FEAT = 64
BATCH = 16384
EPS = 0.0001

_NC, _NS = 2, 16
_NW = _NC * _NS
_BPW = BATCH // _NW

_sc_mesh = plsc.VectorSubcoreMesh(core_axis_name="c", subcore_axis_name="s")


@functools.partial(
    pl.kernel,
    out_type=jax.ShapeDtypeStruct((BATCH,), jnp.float32),
    mesh=_sc_mesh,
    scratch_types=[
        pltpu.VMEM((_BPW,), jnp.int32),
        pltpu.VMEM((_BPW,), jnp.float32),
        pltpu.SemaphoreType.DMA,
    ],
)
def _gather_u(u_hbm, idx_hbm, out_hbm, idx_v, rows_v, sem):
    wid = lax.axis_index("s") * _NC + lax.axis_index("c")
    base = wid * _BPW
    pltpu.sync_copy(idx_hbm.at[pl.ds(base, _BPW)], idx_v)
    pltpu.async_copy(u_hbm.at[idx_v], rows_v, sem).wait()
    pltpu.sync_copy(rows_v, out_hbm.at[pl.ds(base, _BPW)])


_RED_ROWS = 8000
_RED_STEPS = NUM_EXAMP // _RED_ROWS


def _seg_sum_body(ps_ref, out_ref):
    @pl.when(pl.program_id(0) == 0)
    def _init():
        out_ref[...] = jnp.zeros_like(out_ref)

    def body(k, acc):
        return acc + ps_ref[pl.ds(k * 200, 200), :]

    acc = lax.fori_loop(
        0, _RED_ROWS // 200, body,
        jnp.zeros((2 * NUM_CLASSES, ENC_FEAT), jnp.float32))
    out_ref[...] += acc[:NUM_CLASSES, :] + acc[NUM_CLASSES:, :]


def _class_sums(prev_sim):
    return pl.pallas_call(
        _seg_sum_body,
        grid=(_RED_STEPS,),
        in_specs=[pl.BlockSpec((_RED_ROWS, ENC_FEAT), lambda i: (i, 0))],
        out_specs=pl.BlockSpec((NUM_CLASSES, ENC_FEAT), lambda i: (0, 0)),
        out_shape=jax.ShapeDtypeStruct((NUM_CLASSES, ENC_FEAT), jnp.float32),
    )(prev_sim)


_CHUNK = 2048
_NCHUNK = BATCH // _CHUNK
_NEG = -1e30

_M_S, _Z_S, _M_T, _Z_T, _A_T, _L1, _MSE = range(7)


def _loss_body(sums_ref, logits_ref, label_ref, feat_ref, ub_ref, tac_ref,
               loss_ref, acc):
    i = pl.program_id(0)

    @pl.when(i == 0)
    def _init():
        acc[_M_S] = _NEG
        acc[_Z_S] = 0.0
        acc[_M_T] = _NEG
        acc[_Z_T] = 0.0
        acc[_A_T] = 0.0
        acc[_L1] = 0.0
        acc[_MSE] = 0.0

    logits = logits_ref[...]
    lab = label_ref[...]
    feat = feat_ref[...]
    ub = ub_ref[...]
    tac = tac_ref[0, 0]

    mv = sums_ref[...] * (1.0 / (NUM_EXAMP / NUM_CLASSES))
    mvn = mv * lax.rsqrt(jnp.sum(mv * mv, axis=1, keepdims=True))
    fn = feat * lax.rsqrt(jnp.sum(feat * feat, axis=1, keepdims=True))
    sim = lax.dot_general(fn, mvn, (((1,), (1,)), ((), ())),
                          preferred_element_type=jnp.float32)
    sim = sim * lab
    sim = jnp.where(sim > 0.0, sim, 0.0)

    m = jnp.max(logits, axis=1, keepdims=True)
    e = jnp.exp(logits - m)
    pred = e / jnp.sum(e, axis=1, keepdims=True)
    u_l = ub * lab
    pred = jnp.clip(pred + tac * u_l, EPS, 1.0)
    l1_c = -jnp.sum(sim * jnp.log(pred))

    colid = lax.broadcasted_iota(jnp.int32, logits.shape, 1)
    amax = jnp.min(jnp.where(logits == m, colid, NUM_CLASSES), axis=1,
                   keepdims=True)
    onehot = (colid == amax).astype(jnp.float32)
    diff = onehot + u_l - lab
    mse_c = jnp.sum(diff * diff)

    s = jnp.sum(logits * lab, axis=1, keepdims=True)
    t = -jnp.log(ub)

    m_s = acc[_M_S]
    new_m_s = jnp.maximum(m_s, jnp.max(s))
    acc[_Z_S] = acc[_Z_S] * jnp.exp(m_s - new_m_s) + jnp.sum(
        jnp.exp(s - new_m_s))
    acc[_M_S] = new_m_s

    m_t = acc[_M_T]
    new_m_t = jnp.maximum(m_t, jnp.max(t))
    scale = jnp.exp(m_t - new_m_t)
    et = jnp.exp(t - new_m_t)
    acc[_Z_T] = acc[_Z_T] * scale + jnp.sum(et)
    acc[_A_T] = acc[_A_T] * scale + jnp.sum(et * (t - s))
    acc[_M_T] = new_m_t

    acc[_L1] = acc[_L1] + l1_c
    acc[_MSE] = acc[_MSE] + mse_c

    @pl.when(i == _NCHUNK - 1)
    def _fin():
        lse_s = acc[_M_S] + jnp.log(acc[_Z_S])
        lse_t = acc[_M_T] + jnp.log(acc[_Z_T])
        kl = (acc[_A_T] / acc[_Z_T] + lse_s - lse_t) * (1.0 / BATCH)
        total = (acc[_L1] + acc[_MSE]) * (1.0 / BATCH) + (1.0 - tac) * kl
        loss_ref[...] = jnp.full((1, 1), total, jnp.float32)


def _batch_loss(sums, logits, lab, feat, ub, tac):
    return pl.pallas_call(
        _loss_body,
        grid=(_NCHUNK,),
        in_specs=[
            pl.BlockSpec((NUM_CLASSES, ENC_FEAT), lambda i: (0, 0)),
            pl.BlockSpec((_CHUNK, NUM_CLASSES), lambda i: (i, 0)),
            pl.BlockSpec((_CHUNK, NUM_CLASSES), lambda i: (i, 0)),
            pl.BlockSpec((_CHUNK, ENC_FEAT), lambda i: (i, 0)),
            pl.BlockSpec((_CHUNK, 1), lambda i: (i, 0)),
            pl.BlockSpec((1, 1), lambda i: (0, 0)),
        ],
        out_specs=pl.BlockSpec((1, 1), lambda i: (0, 0)),
        out_shape=jax.ShapeDtypeStruct((1, 1), jnp.float32),
        scratch_shapes=[pltpu.SMEM((8,), jnp.float32)],
    )(sums, logits, lab, feat, ub, tac)


def kernel(u, prevSimilarity, outputs, label, out, train_acc_cater, index,
           sample_labels, flag, epoch, unused):
    ub = _gather_u(u.reshape(-1), index.astype(jnp.int32))
    sums = _class_sums(prevSimilarity)
    loss = _batch_loss(
        sums, outputs, label, out, ub.reshape(BATCH, 1),
        jnp.asarray(train_acc_cater, jnp.float32).reshape(1, 1))
    return loss[0, 0]

# --- scband reference (transcript-rebuilt; emitter-appended) ---
"""Pipeline reference for scband-ncod-loss-50397146251377 (READ-ONLY COPY).

The authoritative reference and input builder live on the scoring server;
editing this copy changes nothing except your own understanding.
"""

import jax, jax.numpy as jnp
import numpy as np

NUM_EXAMP = 1000000
NUM_CLASSES = 100
ENC_FEAT = 64
BATCH = 16384


def setup_inputs(seed: int = 0) -> dict:
    key = jax.random.key(seed)
    ks = jax.random.split(key, 7)
    index = jax.random.randint(ks[0], (BATCH,), 0, NUM_EXAMP)
    outputs = jax.random.normal(ks[1], (BATCH, NUM_CLASSES), dtype=jnp.float32)
    label = jax.random.uniform(ks[2], (BATCH, NUM_CLASSES), dtype=jnp.float32)
    out = jax.random.normal(ks[3], (BATCH, ENC_FEAT), dtype=jnp.float32)
    train_acc_cater = jax.random.uniform(ks[4], (), dtype=jnp.float32)
    # learned parameter u ~ N(mean=1e-8, std=1e-9), shape [num_examp, 1]
    u = (1e-08 + 1e-09 * jax.random.normal(ks[5], (NUM_EXAMP, 1))).astype(jnp.float32)
    # state buffer prevSimilarity ~ U[0,1), shape [num_examp, encoder_features]
    prevSimilarity = jax.random.uniform(ks[6], (NUM_EXAMP, ENC_FEAT), dtype=jnp.float32)
    # sample_labels constructor arg: balanced class assignment
    sample_labels = jnp.arange(NUM_EXAMP, dtype=jnp.int32) % NUM_CLASSES
    return {
        "u": u,
        "prevSimilarity": prevSimilarity,
        "outputs": outputs,
        "label": label,
        "out": out,
        "train_acc_cater": train_acc_cater,
        "index": index,
        "sample_labels": sample_labels,
        "flag": 0,
        "epoch": 0,
        "unused": 0,
    }


def _forward(u, prevSimilarity, outputs, label, out, train_acc_cater, index, sample_labels):
    eps = 0.0001
    u_batch = u[index]  # gather [B, 1]
    # flag == 0 / self.beginning branch with percent = 100:
    # topk(class_u, len(class_u), largest=False) selects every element of each bin,
    # so masterVector[i] = mean of prevSimilarity over the class-i bin (order-invariant).
    counts = jnp.bincount(sample_labels, length=NUM_CLASSES).astype(jnp.float32)
    sums = jax.ops.segment_sum(prevSimilarity, sample_labels, num_segments=NUM_CLASSES)
    masterVector = sums / counts[:, None]
    mv_norm = jnp.linalg.norm(masterVector, axis=1, keepdims=True)
    masterVector_transpose = (masterVector / mv_norm).T  # [enc_feat, num_classes]
    # prevSimilarity[index] = out.detach() is a pure side effect (does not affect the
    # returned loss this step), so it is not part of the returned value.
    prediction = jax.nn.softmax(outputs, axis=1)
    out1_det = jax.lax.stop_gradient(out)
    out_norm = jnp.linalg.norm(out1_det, axis=1, keepdims=True)
    out_normalized = out1_det / out_norm
    similarity = out_normalized @ masterVector_transpose
    similarity = similarity * label
    sim_mask = (similarity > 0.0).astype(jnp.float32)
    similarity = similarity * sim_mask
    u_l = u_batch * label
    prediction = jnp.clip(prediction + train_acc_cater * jax.lax.stop_gradient(u_l), eps, 1.0)
    loss = jnp.mean(-jnp.sum(similarity * jnp.log(prediction), axis=1))
    # soft_to_hard (no_grad): one-hot of argmax(outputs)
    label_one_hot = jax.nn.one_hot(
        jnp.argmax(jax.lax.stop_gradient(outputs), axis=1), NUM_CLASSES, dtype=jnp.float32
    )
    mse_loss = jnp.sum((label_one_hot + u_l - label) ** 2) / label.shape[0]
    loss = loss + mse_loss
    # kl_div(log_softmax(sum(output*label, 1)), softmax(-log(u[index].detach())))
    logp = jax.nn.log_softmax(jnp.sum(outputs * label, axis=1), axis=0)
    target = jax.nn.softmax(-jnp.log(jax.lax.stop_gradient(u[index]).reshape(-1)), axis=0)
    kl_loss = jnp.mean(target * (jnp.log(target) - logp))
    loss = loss + (1.0 - train_acc_cater) * kl_loss
    # ratio_balance == 0 and ratio_consistency == 0 -> those branches are skipped
    return loss


def reference(u, prevSimilarity, outputs, label, out, train_acc_cater, index, sample_labels, flag=0, epoch=0, unused=0):
    # flag is a static python int; flag == 0 path (masterVector rebuild) is taken.
    return _forward(u, prevSimilarity, outputs, label, out, train_acc_cater, index, sample_labels)

if __name__ == "__main__":
    import jax
    _d = setup_inputs()
    print(jax.jit(kernel)(*tuple(_d.values())))

</pallas_src>

<mosaic_0001>
#map = affine_map<(d0, d1) -> (0)>
module attributes {stable_mosaic.version = 14 : i64} {
  func.func @_gather_u(%arg0: i32, %arg1: i32, %arg2: memref<1000000xf32, #tpu.memory_space<hbm>>, %arg3: memref<16384xi32, #tpu.memory_space<hbm>>, %arg4: memref<16384xf32, #tpu.memory_space<hbm>>, %arg5: memref<512xi32, #tpu.memory_space<vmem>>, %arg6: memref<512xf32, #tpu.memory_space<vmem>>, %arg7: memref<!tpu.dma_semaphore, #tpu.memory_space<semaphore_mem>>) attributes {dimension_semantics = [#tpu.dimension_semantics<core_parallel>, #tpu.dimension_semantics<subcore_parallel>], iteration_bounds = array<i64: 2, 16>, scalar_prefetch = 0 : i64, scratch_operands = 3 : i64, tpu.core_type = #tpu.core_type<sc_vector_subcore>, window_params = [{transform_indices = #map}, {transform_indices = #map}, {transform_indices = #map}]} {
    %mul3A = arith.constant 2 : i32
    %mul3A_0 = arith.muli %arg1, %mul3A : i32
    %add3A = arith.addi %mul3A_0, %arg0 : i32
    %mul3A_1 = arith.constant 512 : i32
    %mul3A_2 = arith.muli %add3A, %mul3A_1 : i32
    "tpu.region"() ({
      %run_scoped3A = tpu.sem_alloc : memref<!tpu.dma_semaphore, #tpu.memory_space<semaphore_mem>>
      %dma_start3A_5 = tpu.memref_slice %arg3[%mul3A_2] : memref<16384xi32, #tpu.memory_space<hbm>> -> memref<512xi32, #tpu.memory_space<hbm>>
      %dma_start3A_6 = tpu.memref_slice %arg3[%mul3A_2] : memref<16384xi32, #tpu.memory_space<hbm>> -> memref<512xi32, #tpu.memory_space<hbm>>
      tpu.enqueue_dma source(%dma_start3A_6 : memref<512xi32, #tpu.memory_space<hbm>>) target(%arg5 : memref<512xi32, #tpu.memory_space<vmem>>) target_semaphore(%run_scoped3A : memref<!tpu.dma_semaphore, #tpu.memory_space<semaphore_mem>>)
      %dma_wait3A_7 = tpu.memref_slice %arg3[%mul3A_2] : memref<16384xi32, #tpu.memory_space<hbm>> -> memref<512xi32, #tpu.memory_space<hbm>>
      %dma_wait3A_8 = tpu.memref_slice %arg3[%mul3A_2] : memref<16384xi32, #tpu.memory_space<hbm>> -> memref<512xi32, #tpu.memory_space<hbm>>
      tpu.wait_dma2 semaphore(%run_scoped3A : memref<!tpu.dma_semaphore, #tpu.memory_space<semaphore_mem>>) src(%dma_wait3A_8 : memref<512xi32, #tpu.memory_space<hbm>>) dst(%arg5 : memref<512xi32, #tpu.memory_space<vmem>>)
      tpu.yield
    }) : () -> ()
    %dma_start3A = arith.constant 0 : i32
    %dma_start3A_3 = tpu.memref_slice %arg2[%dma_start3A] : memref<1000000xf32, #tpu.memory_space<hbm>> -> memref<1000000xf32, #tpu.memory_space<hbm>>
    tpu.enqueue_indirect_dma source(%dma_start3A_3 : memref<1000000xf32, #tpu.memory_space<hbm>>) target(%arg6 : memref<512xf32, #tpu.memory_space<vmem>>) offsets(%arg5 : memref<512xi32, #tpu.memory_space<vmem>>) semaphore(%arg7 : memref<!tpu.dma_semaphore, #tpu.memory_space<semaphore_mem>>)
    %dma_wait3A = arith.constant 0 : i32
    %dma_wait3A_4 = tpu.memref_slice %arg2[%dma_wait3A] : memref<1000000xf32, #tpu.memory_space<hbm>> -> memref<1000000xf32, #tpu.memory_space<hbm>>
    tpu.wait_indirect_dma semaphore(%arg7 : memref<!tpu.dma_semaphore, #tpu.memory_space<semaphore_mem>>) src(%dma_wait3A_4 : memref<1000000xf32, #tpu.memory_space<hbm>>) dst(%arg6 : memref<512xf32, #tpu.memory_space<vmem>>)
    "tpu.region"() ({
      %run_scoped3A = tpu.sem_alloc : memref<!tpu.dma_semaphore, #tpu.memory_space<semaphore_mem>>
      %dma_start3A_5 = tpu.memref_slice %arg4[%mul3A_2] : memref<16384xf32, #tpu.memory_space<hbm>> -> memref<512xf32, #tpu.memory_space<hbm>>
      %dma_start3A_6 = tpu.memref_slice %arg4[%mul3A_2] : memref<16384xf32, #tpu.memory_space<hbm>> -> memref<512xf32, #tpu.memory_space<hbm>>
      tpu.enqueue_dma source(%arg6 : memref<512xf32, #tpu.memory_space<vmem>>) target(%dma_start3A_6 : memref<512xf32, #tpu.memory_space<hbm>>) target_semaphore(%run_scoped3A : memref<!tpu.dma_semaphore, #tpu.memory_space<semaphore_mem>>)
      %dma_wait3A_7 = tpu.memref_slice %arg4[%mul3A_2] : memref<16384xf32, #tpu.memory_space<hbm>> -> memref<512xf32, #tpu.memory_space<hbm>>
      %dma_wait3A_8 = tpu.memref_slice %arg4[%mul3A_2] : memref<16384xf32, #tpu.memory_space<hbm>> -> memref<512xf32, #tpu.memory_space<hbm>>
      tpu.wait_dma2 semaphore(%run_scoped3A : memref<!tpu.dma_semaphore, #tpu.memory_space<semaphore_mem>>) src(%arg6 : memref<512xf32, #tpu.memory_space<vmem>>) dst(%dma_wait3A_8 : memref<512xf32, #tpu.memory_space<hbm>>)
      tpu.yield
    }) : () -> ()
    return
  }
}

module attributes {stable_mosaic.version = 14 : i64} {
  func.func @_seg_sum_body(%arg0: i32, %arg1: memref<8000x64xf32, #tpu.memory_space<vmem>>, %arg2: memref<100x64xf32, #tpu.memory_space<vmem>>) attributes {dimension_semantics = [#tpu.dimension_semantics<arbitrary>], iteration_bounds = array<i64: 125>, scalar_prefetch = 0 : i64, scratch_operands = 0 : i64, tpu.core_type = #tpu.core_type<tc>, window_params = [{transform_indices = @transform_0, window_bounds = array<i64: 8000, 64>}, {pipeline_mode = #tpu.pipeline_mode<synchronous>, transform_indices = @transform_1, window_bounds = array<i64: 100, 64>}]} {
    %eq3A = arith.constant 0 : i32
    %eq3A_0 = arith.cmpi eq, %arg0, %eq3A : i32
    %convert_element_type3A = arith.extui %eq3A_0 : i1 to i32
    %cond3A = arith.constant 0 : i32
    %cond3A_1 = arith.cmpi ne, %convert_element_type3A, %cond3A : i32
    scf.if %cond3A_1 {
      %broadcast_in_dim3A_14 = arith.constant 0.000000e+00 : f32
      %broadcast_in_dim3A_15 = vector.broadcast %broadcast_in_dim3A_14 : f32 to vector<100x64xf32>
      %swap3A_16 = arith.constant 0 : index
      %swap3A_17 = arith.constant 0 : index
      %swap3A_18 = vector.load %arg2[%swap3A_16, %swap3A_17] : memref<100x64xf32, #tpu.memory_space<vmem>>, vector<100x64xf32>
      tpu.vector_store %arg2[%swap3A_16, %swap3A_17], %broadcast_in_dim3A_15 {strides = array<i32>} : memref<100x64xf32, #tpu.memory_space<vmem>>, vector<100x64xf32>,
    } else {
    }
    %broadcast_in_dim3A = arith.constant 0.000000e+00 : f32
    %broadcast_in_dim3A_2 = vector.broadcast %broadcast_in_dim3A : f32 to vector<200x64xf32>
    %scan3A = arith.constant 0 : i32
    %scan3A_3 = arith.constant 40 : i32
    %scan3A_4 = arith.addi %scan3A, %scan3A_3 : i32
    %scan3A_5 = arith.constant 1 : i32
    %scan3A_6 = scf.for %scan3A_14 = %scan3A to %scan3A_4 step %scan3A_5 iter_args(%scan3A_15 = %broadcast_in_dim3A_2) -> (vector<200x64xf32>)  : i32 {
      %mul3A = arith.constant 200 : i32
      %mul3A_16 = arith.muli %scan3A_14, %mul3A : i32
      %get3A_17 = arith.index_cast %mul3A_16 : i32 to index
      %get3A_18 = arith.constant 0 : index
      %get3A_19 = vector.load %arg1[%get3A_17, %get3A_18] : memref<8000x64xf32, #tpu.memory_space<vmem>>, vector<200x64xf32>
      %add3A_20 = arith.addf %scan3A_15, %get3A_19 : vector<200x64xf32>
      scf.yield %add3A_20 : vector<200x64xf32>
    }
    %scan3A_7 = arith.constant 40 : i32
    %get3A = arith.constant 0 : index
    %get3A_8 = arith.constant 0 : index
    %get3A_9 = vector.load %arg2[%get3A, %get3A_8] : memref<100x64xf32, #tpu.memory_space<vmem>>, vector<100x64xf32>
    %slice3A = vector.extract_strided_slice %scan3A_6 {offsets = [0, 0], sizes = [100, 64], strides = [1, 1]} : vector<200x64xf32> to vector<100x64xf32>
    %slice3A_10 = vector.extract_strided_slice %scan3A_6 {offsets = [100, 0], sizes = [100, 64], strides = [1, 1]} : vector<200x64xf32> to vector<100x64xf32>
    %add3A = arith.addf %slice3A, %slice3A_10 : vector<100x64xf32>
    %add3A_11 = arith.addf %get3A_9, %add3A : vector<100x64xf32>
    %swap3A = arith.constant 0 : index
    %swap3A_12 = arith.constant 0 : index
    %swap3A_13 = vector.load %arg2[%swap3A, %swap3A_12] : memref<100x64xf32, #tpu.memory_space<vmem>>, vector<100x64xf32>
    tpu.vector_store %arg2[%swap3A, %swap3A_12], %add3A_11 {strides = array<i32>} : memref<100x64xf32, #tpu.memory_space<vmem>>, vector<100x64xf32>,
    return
  }
  func.func @transform_0(%arg0: i32) -> (i32, i32) {
    %c0_i32 = arith.constant 0 : i32
    %c0_i32_0 = arith.constant 0 : i32
    return %arg0, %c0_i32 : i32, i32
  }
  func.func @transform_1(%arg0: i32) -> (i32, i32) {
    %c0_i32 = arith.constant 0 : i32
    %c0_i32_0 = arith.constant 0 : i32
    %c0_i32_1 = arith.constant 0 : i32
    return %c0_i32, %c0_i32_0 : i32, i32
  }
}

module attributes {stable_mosaic.version = 14 : i64} {
  func.func @_loss_body(%arg0: i32, %arg1: memref<100x64xf32, #tpu.memory_space<vmem>>, %arg2: memref<2048x100xf32, #tpu.memory_space<vmem>>, %arg3: memref<2048x100xf32, #tpu.memory_space<vmem>>, %arg4: memref<2048x64xf32, #tpu.memory_space<vmem>>, %arg5: memref<2048x1xf32, #tpu.memory_space<vmem>>, %arg6: memref<1x1xf32, #tpu.memory_space<vmem>>, %arg7: memref<1x1xf32, #tpu.memory_space<vmem>>, %arg8: memref<8xf32, #tpu.memory_space<smem>>) attributes {dimension_semantics = [#tpu.dimension_semantics<arbitrary>], iteration_bounds = array<i64: 8>, scalar_prefetch = 0 : i64, scratch_operands = 1 : i64, tpu.core_type = #tpu.core_type<tc>, window_params = [{pipeline_mode = #tpu.pipeline_mode<synchronous>, transform_indices = @transform_0, window_bounds = array<i64: 100, 64>}, {transform_indices = @transform_1, window_bounds = array<i64: 2048, 100>}, {transform_indices = @transform_2, window_bounds = array<i64: 2048, 100>}, {transform_indices = @transform_3, window_bounds = array<i64: 2048, 64>}, {transform_indices = @transform_4, window_bounds = array<i64: 2048, 1>}, {pipeline_mode = #tpu.pipeline_mode<synchronous>, transform_indices = @transform_5, window_bounds = array<i64: 1, 1>}, {pipeline_mode = #tpu.pipeline_mode<synchronous>, transform_indices = @transform_6, window_bounds = array<i64: 1, 1>}]} {
    %eq3A = arith.constant 0 : i32
    %eq3A_0 = arith.cmpi eq, %arg0, %eq3A : i32
    %convert_element_type3A = arith.extui %eq3A_0 : i1 to i32
    %cond3A = arith.constant 0 : i32
    %cond3A_1 = arith.cmpi ne, %convert_element_type3A, %cond3A : i32
    scf.if %cond3A_1 {
      %swap3A_166 = arith.constant -1.000000e+30 : f32
      %swap3A_167 = arith.constant 0 : index
      %swap3A_168 = memref.load %arg8[%swap3A_167] : memref<8xf32, #tpu.memory_space<smem>>
      memref.store %swap3A_166, %arg8[%swap3A_167] : memref<8xf32, #tpu.memory_space<smem>>
      %swap3A_169 = arith.constant 0.000000e+00 : f32
      %swap3A_170 = arith.constant 1 : index
      %swap3A_171 = memref.load %arg8[%swap3A_170] : memref<8xf32, #tpu.memory_space<smem>>
      memref.store %swap3A_169, %arg8[%swap3A_170] : memref<8xf32, #tpu.memory_space<smem>>
      %swap3A_172 = arith.constant -1.000000e+30 : f32
      %swap3A_173 = arith.constant 2 : index
      %swap3A_174 = memref.load %arg8[%swap3A_173] : memref<8xf32, #tpu.memory_space<smem>>
      memref.store %swap3A_172, %arg8[%swap3A_173] : memref<8xf32, #tpu.memory_space<smem>>
      %swap3A_175 = arith.constant 0.000000e+00 : f32
      %swap3A_176 = arith.constant 3 : index
      %swap3A_177 = memref.load %arg8[%swap3A_176] : memref<8xf32, #tpu.memory_space<smem>>
      memref.store %swap3A_175, %arg8[%swap3A_176] : memref<8xf32, #tpu.memory_space<smem>>
      %swap3A_178 = arith.constant 0.000000e+00 : f32
      %swap3A_179 = arith.constant 4 : index
      %swap3A_180 = memref.load %arg8[%swap3A_179] : memref<8xf32, #tpu.memory_space<smem>>
      memref.store %swap3A_178, %arg8[%swap3A_179] : memref<8xf32, #tpu.memory_space<smem>>
      %swap3A_181 = arith.constant 0.000000e+00 : f32
      %swap3A_182 = arith.constant 5 : index
      %swap3A_183 = memref.load %arg8[%swap3A_182] : memref<8xf32, #tpu.memory_space<smem>>
      memref.store %swap3A_181, %arg8[%swap3A_182] : memref<8xf32, #tpu.memory_space<smem>>
      %swap3A_184 = arith.constant 0.000000e+00 : f32
      %swap3A_185 = arith.constant 6 : index
      %swap3A_186 = memref.load %arg8[%swap3A_185] : memref<8xf32, #tpu.memory_space<smem>>
      memref.store %swap3A_184, %arg8[%swap3A_185] : memref<8xf32, #tpu.memory_space<smem>>
    } else {
    }
    %get3A = arith.constant 0 : index
    %get3A_2 = arith.constant 0 : index
    %get3A_3 = vector.load %arg2[%get3A, %get3A_2] : memref<2048x100xf32, #tpu.memory_space<vmem>>, vector<2048x100xf32>
    %get3A_4 = arith.constant 0 : index
    %get3A_5 = arith.constant 0 : index
    %get3A_6 = vector.load %arg3[%get3A_4, %get3A_5] : memref<2048x100xf32, #tpu.memory_space<vmem>>, vector<2048x100xf32>
    %get3A_7 = arith.constant 0 : index
    %get3A_8 = arith.constant 0 : index
    %get3A_9 = vector.load %arg4[%get3A_7, %get3A_8] : memref<2048x64xf32, #tpu.memory_space<vmem>>, vector<2048x64xf32>
    %get3A_10 = arith.constant 0 : index
    %get3A_11 = arith.constant 0 : index
    %get3A_12 = vector.load %arg5[%get3A_10, %get3A_11] : memref<2048x1xf32, #tpu.memory_space<vmem>>, vector<2048x1xf32>
    %get3A_13 = arith.constant 0 : index
    %get3A_14 = arith.constant 0 : index
    %get3A_15 = vector.load %arg6[%get3A_13, %get3A_14] : memref<1x1xf32, #tpu.memory_space<vmem>>, vector<1x1xf32>
    %get3A_16 = vector.extract %get3A_15[0, 0] : f32 from vector<1x1xf32>
    %get3A_17 = arith.constant 0 : index
    %get3A_18 = arith.constant 0 : index
    %get3A_19 = vector.load %arg1[%get3A_17, %get3A_18] : memref<100x64xf32, #tpu.memory_space<vmem>>, vector<100x64xf32>
    %mul3A = arith.constant 9.99999974E-5 : f32
    %mul3A_20 = vector.broadcast %mul3A : f32 to vector<100x64xf32>
    %mul3A_21 = arith.mulf %get3A_19, %mul3A_20 : vector<100x64xf32>
    %mul3A_22 = arith.mulf %mul3A_21, %mul3A_21 : vector<100x64xf32>
    %reduce_sum3A = arith.constant dense<0.000000e+00> : vector<100xf32>
    %reduce_sum3A_23 = vector.multi_reduction <add>, %mul3A_22, %reduce_sum3A [1] : vector<100x64xf32> to vector<100xf32>
    %broadcast_in_dim3A = vector.shape_cast %reduce_sum3A_23 : vector<100xf32> to vector<100x1xf32>
    %rsqrt3A = math.rsqrt %broadcast_in_dim3A : vector<100x1xf32>
    %mul3A_24 = vector.broadcast %rsqrt3A : vector<100x1xf32> to vector<100x64xf32>
    %mul3A_25 = arith.mulf %mul3A_21, %mul3A_24 : vector<100x64xf32>
    %mul3A_26 = arith.mulf %get3A_9, %get3A_9 : vector<2048x64xf32>
    %reduce_sum3A_27 = arith.constant dense<0.000000e+00> : vector<2048xf32>
    %reduce_sum3A_28 = vector.multi_reduction <add>, %mul3A_26, %reduce_sum3A_27 [1] : vector<2048x64xf32> to vector<2048xf32>
    %broadcast_in_dim3A_29 = vector.shape_cast %reduce_sum3A_28 : vector<2048xf32> to vector<2048x1xf32>
    %rsqrt3A_30 = math.rsqrt %broadcast_in_dim3A_29 : vector<2048x1xf32>
    %mul3A_31 = vector.broadcast %rsqrt3A_30 : vector<2048x1xf32> to vector<2048x64xf32>
    %mul3A_32 = arith.mulf %get3A_9, %mul3A_31 : vector<2048x64xf32>
    %dot_general3A = arith.constant dense<0.000000e+00> : vector<2048x100xf32>
    %dot_general3A_33 = tpu.matmul %mul3A_32, %mul3A_25, %dot_general3A {dimension_numbers = #tpu.dot_dimension_numbers<[1], [1], [0], [0], [0, 0, 1, 0], [], []>, transpose_lhs_hint = false} : vector<2048x64xf32>, vector<100x64xf32>, vector<2048x100xf32> -> vector<2048x100xf32>
    %mul3A_34 = arith.mulf %dot_general3A_33, %get3A_6 : vector<2048x100xf32>
    %gt3A = arith.constant 0.000000e+00 : f32
    %gt3A_35 = vector.broadcast %gt3A : f32 to vector<2048x100xf32>
    %gt3A_36 = arith.cmpf ogt, %mul3A_34, %gt3A_35 : vector<2048x100xf32>
    %jit3A = arith.constant 0.000000e+00 : f32
    %broadcast_in_dim3A_37 = vector.broadcast %jit3A : f32 to vector<2048x100xf32>
    %select_n3A = arith.select %gt3A_36, %mul3A_34, %broadcast_in_dim3A_37 : vector<2048x100xi1>, vector<2048x100xf32>
    %reduce_max3A = arith.constant dense<0xFF800000> : vector<2048xf32>
    %reduce_max3A_38 = vector.multi_reduction <maximumf>, %get3A_3, %reduce_max3A [1] : vector<2048x100xf32> to vector<2048xf32>
    %broadcast_in_dim3A_39 = vector.shape_cast %reduce_max3A_38 : vector<2048xf32> to vector<2048x1xf32>
    %sub3A = vector.broadcast %broadcast_in_dim3A_39 : vector<2048x1xf32> to vector<2048x100xf32>
    %sub3A_40 = arith.subf %get3A_3, %sub3A : vector<2048x100xf32>
    %exp3A = math.exp %sub3A_40 : vector<2048x100xf32>
    %reduce_sum3A_41 = arith.constant dense<0.000000e+00> : vector<2048xf32>
    %reduce_sum3A_42 = vector.multi_reduction <add>, %exp3A, %reduce_sum3A_41 [1] : vector<2048x100xf32> to vector<2048xf32>
    %broadcast_in_dim3A_43 = vector.shape_cast %reduce_sum3A_42 : vector<2048xf32> to vector<2048x1xf32>
    %div3A = vector.broadcast %broadcast_in_dim3A_43 : vector<2048x1xf32> to vector<2048x100xf32>
    %div3A_44 = arith.divf %exp3A, %div3A : vector<2048x100xf32>
    %mul3A_45 = vector.broadcast %get3A_12 : vector<2048x1xf32> to vector<2048x100xf32>
    %mul3A_46 = arith.mulf %mul3A_45, %get3A_6 : vector<2048x100xf32>
    %mul3A_47 = vector.broadcast %get3A_16 : f32 to vector<2048x100xf32>
    %mul3A_48 = arith.mulf %mul3A_47, %mul3A_46 : vector<2048x100xf32>
    %add3A = arith.addf %div3A_44, %mul3A_48 : vector<2048x100xf32>
    %jit3A_49 = arith.constant 9.99999974E-5 : f32
    %jit3A_50 = arith.constant 1.000000e+00 : f32
    %max3A = vector.broadcast %jit3A_49 : f32 to vector<2048x100xf32>
    %max3A_51 = arith.maximumf %max3A, %add3A : vector<2048x100xf32>
    %min3A = vector.broadcast %jit3A_50 : f32 to vector<2048x100xf32>
    %min3A_52 = arith.minimumf %min3A, %max3A_51 : vector<2048x100xf32>
    %log3A = math.log %min3A_52 : vector<2048x100xf32>
    %mul3A_53 = arith.mulf %select_n3A, %log3A : vector<2048x100xf32>
    %reduce_sum3A_54 = vector.shape_cast %mul3A_53 : vector<2048x100xf32> to vector<1x2048x100xf32>
    %reduce_sum3A_55 = arith.constant dense<0.000000e+00> : vector<1xf32>
    %reduce_sum3A_56 = vector.multi_reduction <add>, %reduce_sum3A_54, %reduce_sum3A_55 [1, 2] : vector<1x2048x100xf32> to vector<1xf32>
    %reduce_sum3A_57 = vector.shape_cast %reduce_sum3A_56 : vector<1xf32> to vector<1x1x1xf32>
    %reduce_sum3A_58 = vector.extract %reduce_sum3A_57[0, 0, 0] : f32 from vector<1x1x1xf32>
    %neg3A = arith.constant 0.000000e+00 : f32
    %neg3A_59 = arith.subf %neg3A, %reduce_sum3A_58 : f32
    %iota3A = tpu.iota {dimensions = array<i32: 1>} : vector<2048x100xi32>
    %eq3A_60 = vector.broadcast %broadcast_in_dim3A_39 : vector<2048x1xf32> to vector<2048x100xf32>
    %eq3A_61 = arith.cmpf oeq, %get3A_3, %eq3A_60 : vector<2048x100xf32>
    %jit3A_62 = arith.constant 100 : i32
    %broadcast_in_dim3A_63 = vector.broadcast %jit3A_62 : i32 to vector<2048x100xi32>
    %select_n3A_64 = arith.select %eq3A_61, %iota3A, %broadcast_in_dim3A_63 : vector<2048x100xi1>, vector<2048x100xi32>
    %reduce_min3A = arith.constant dense<2147483647> : vector<2048xi32>
    %reduce_min3A_65 = vector.multi_reduction <minsi>, %select_n3A_64, %reduce_min3A [1] : vector<2048x100xi32> to vector<2048xi32>
    %broadcast_in_dim3A_66 = vector.shape_cast %reduce_min3A_65 : vector<2048xi32> to vector<2048x1xi32>
    %eq3A_67 = vector.broadcast %broadcast_in_dim3A_66 : vector<2048x1xi32> to vector<2048x100xi32>
    %eq3A_68 = arith.cmpi eq, %iota3A, %eq3A_67 : vector<2048x100xi32>
    %convert_element_type3A_69 = arith.extui %eq3A_68 : vector<2048x100xi1> to vector<2048x100xi32>
    %convert_element_type3A_70 = arith.sitofp %convert_element_type3A_69 : vector<2048x100xi32> to vector<2048x100xf32>
    %add3A_71 = arith.addf %convert_element_type3A_70, %mul3A_46 : vector<2048x100xf32>
    %sub3A_72 = arith.subf %add3A_71, %get3A_6 : vector<2048x100xf32>
    %mul3A_73 = arith.mulf %sub3A_72, %sub3A_72 : vector<2048x100xf32>
    %reduce_sum3A_74 = vector.shape_cast %mul3A_73 : vector<2048x100xf32> to vector<1x2048x100xf32>
    %reduce_sum3A_75 = arith.constant dense<0.000000e+00> : vector<1xf32>
    %reduce_sum3A_76 = vector.multi_reduction <add>, %reduce_sum3A_74, %reduce_sum3A_75 [1, 2] : vector<1x2048x100xf32> to vector<1xf32>
    %reduce_sum3A_77 = vector.shape_cast %reduce_sum3A_76 : vector<1xf32> to vector<1x1x1xf32>
    %reduce_sum3A_78 = vector.extract %reduce_sum3A_77[0, 0, 0] : f32 from vector<1x1x1xf32>
    %mul3A_79 = arith.mulf %get3A_3, %get3A_6 : vector<2048x100xf32>
    %reduce_sum3A_80 = arith.constant dense<0.000000e+00> : vector<2048xf32>
    %reduce_sum3A_81 = vector.multi_reduction <add>, %mul3A_79, %reduce_sum3A_80 [1] : vector<2048x100xf32> to vector<2048xf32>
    %broadcast_in_dim3A_82 = vector.shape_cast %reduce_sum3A_81 : vector<2048xf32> to vector<2048x1xf32>
    %log3A_83 = math.log %get3A_12 : vector<2048x1xf32>
    %neg3A_84 = arith.constant 0.000000e+00 : f32
    %neg3A_85 = vector.broadcast %neg3A_84 : f32 to vector<2048x1xf32>
    %neg3A_86 = arith.subf %neg3A_85, %log3A_83 : vector<2048x1xf32>
    %get3A_87 = arith.constant 0 : index
    %get3A_88 = memref.load %arg8[%get3A_87] : memref<8xf32, #tpu.memory_space<smem>>
    %reduce_max3A_89 = vector.shape_cast %broadcast_in_dim3A_82 : vector<2048x1xf32> to vector<1x2048x1xf32>
    %reduce_max3A_90 = arith.constant dense<0xFF800000> : vector<1xf32>
    %reduce_max3A_91 = vector.multi_reduction <maximumf>, %reduce_max3A_89, %reduce_max3A_90 [1, 2] : vector<1x2048x1xf32> to vector<1xf32>
    %reduce_max3A_92 = vector.shape_cast %reduce_max3A_91 : vector<1xf32> to vector<1x1x1xf32>
    %reduce_max3A_93 = vector.extract %reduce_max3A_92[0, 0, 0] : f32 from vector<1x1x1xf32>
    %max3A_94 = arith.maximumf %get3A_88, %reduce_max3A_93 : f32
    %get3A_95 = arith.constant 1 : index
    %get3A_96 = memref.load %arg8[%get3A_95] : memref<8xf32, #tpu.memory_space<smem>>
    %sub3A_97 = arith.subf %get3A_88, %max3A_94 : f32
    %exp3A_98 = math.exp %sub3A_97 : f32
    %mul3A_99 = arith.mulf %get3A_96, %exp3A_98 : f32
    %sub3A_100 = vector.broadcast %max3A_94 : f32 to vector<2048x1xf32>
    %sub3A_101 = arith.subf %broadcast_in_dim3A_82, %sub3A_100 : vector<2048x1xf32>
    %exp3A_102 = math.exp %sub3A_101 : vector<2048x1xf32>
    %reduce_sum3A_103 = vector.shape_cast %exp3A_102 : vector<2048x1xf32> to vector<1x2048x1xf32>
    %reduce_sum3A_104 = arith.constant dense<0.000000e+00> : vector<1xf32>
    %reduce_sum3A_105 = vector.multi_reduction <add>, %reduce_sum3A_103, %reduce_sum3A_104 [1, 2] : vector<1x2048x1xf32> to vector<1xf32>
    %reduce_sum3A_106 = vector.shape_cast %reduce_sum3A_105 : vector<1xf32> to vector<1x1x1xf32>
    %reduce_sum3A_107 = vector.extract %reduce_sum3A_106[0, 0, 0] : f32 from vector<1x1x1xf32>
    %add3A_108 = arith.addf %mul3A_99, %reduce_sum3A_107 : f32
    %swap3A = arith.constant 1 : index
    %swap3A_109 = memref.load %arg8[%swap3A] : memref<8xf32, #tpu.memory_space<smem>>
    memref.store %add3A_108, %arg8[%swap3A] : memref<8xf32, #tpu.memory_space<smem>>
    %swap3A_110 = arith.constant 0 : index
    %swap3A_111 = memref.load %arg8[%swap3A_110] : memref<8xf32, #tpu.memory_space<smem>>
    memref.store %max3A_94, %arg8[%swap3A_110] : memref<8xf32, #tpu.memory_space<smem>>
    %get3A_112 = arith.constant 2 : index
    %get3A_113 = memref.load %arg8[%get3A_112] : memref<8xf32, #tpu.memory_space<smem>>
    %reduce_max3A_114 = vector.shape_cast %neg3A_86 : vector<2048x1xf32> to vector<1x2048x1xf32>
    %reduce_max3A_115 = arith.constant dense<0xFF800000> : vector<1xf32>
    %reduce_max3A_116 = vector.multi_reduction <maximumf>, %reduce_max3A_114, %reduce_max3A_115 [1, 2] : vector<1x2048x1xf32> to vector<1xf32>
    %reduce_max3A_117 = vector.shape_cast %reduce_max3A_116 : vector<1xf32> to vector<1x1x1xf32>
    %reduce_max3A_118 = vector.extract %reduce_max3A_117[0, 0, 0] : f32 from vector<1x1x1xf32>
    %max3A_119 = arith.maximumf %get3A_113, %reduce_max3A_118 : f32
    %sub3A_120 = arith.subf %get3A_113, %max3A_119 : f32
    %exp3A_121 = math.exp %sub3A_120 : f32
    %sub3A_122 = vector.broadcast %max3A_119 : f32 to vector<2048x1xf32>
    %sub3A_123 = arith.subf %neg3A_86, %sub3A_122 : vector<2048x1xf32>
    %exp3A_124 = math.exp %sub3A_123 : vector<2048x1xf32>
    %get3A_125 = arith.constant 3 : index
    %get3A_126 = memref.load %arg8[%get3A_125] : memref<8xf32, #tpu.memory_space<smem>>
    %mul3A_127 = arith.mulf %get3A_126, %exp3A_121 : f32
    %reduce_sum3A_128 = vector.shape_cast %exp3A_124 : vector<2048x1xf32> to vector<1x2048x1xf32>
    %reduce_sum3A_129 = arith.constant dense<0.000000e+00> : vector<1xf32>
    %reduce_sum3A_130 = vector.multi_reduction <add>, %reduce_sum3A_128, %reduce_sum3A_129 [1, 2] : vector<1x2048x1xf32> to vector<1xf32>
    %reduce_sum3A_131 = vector.shape_cast %reduce_sum3A_130 : vector<1xf32> to vector<1x1x1xf32>
    %reduce_sum3A_132 = vector.extract %reduce_sum3A_131[0, 0, 0] : f32 from vector<1x1x1xf32>
    %add3A_133 = arith.addf %mul3A_127, %reduce_sum3A_132 : f32
    %swap3A_134 = arith.constant 3 : index
    %swap3A_135 = memref.load %arg8[%swap3A_134] : memref<8xf32, #tpu.memory_space<smem>>
    memref.store %add3A_133, %arg8[%swap3A_134] : memref<8xf32, #tpu.memory_space<smem>>
    %get3A_136 = arith.constant 4 : index
    %get3A_137 = memref.load %arg8[%get3A_136] : memref<8xf32, #tpu.memory_space<smem>>
    %mul3A_138 = arith.mulf %get3A_137, %exp3A_121 : f32
    %sub3A_139 = arith.subf %neg3A_86, %broadcast_in_dim3A_82 : vector<2048x1xf32>
    %mul3A_140 = arith.mulf %exp3A_124, %sub3A_139 : vector<2048x1xf32>
    %reduce_sum3A_141 = vector.shape_cast %mul3A_140 : vector<2048x1xf32> to vector<1x2048x1xf32>
    %reduce_sum3A_142 = arith.constant dense<0.000000e+00> : vector<1xf32>
    %reduce_sum3A_143 = vector.multi_reduction <add>, %reduce_sum3A_141, %reduce_sum3A_142 [1, 2] : vector<1x2048x1xf32> to vector<1xf32>
    %reduce_sum3A_144 = vector.shape_cast %reduce_sum3A_143 : vector<1xf32> to vector<1x1x1xf32>
    %reduce_sum3A_145 = vector.extract %reduce_sum3A_144[0, 0, 0] : f32 from vector<1x1x1xf32>
    %add3A_146 = arith.addf %mul3A_138, %reduce_sum3A_145 : f32
    %swap3A_147 = arith.constant 4 : index
    %swap3A_148 = memref.load %arg8[%swap3A_147] : memref<8xf32, #tpu.memory_space<smem>>
    memref.store %add3A_146, %arg8[%swap3A_147] : memref<8xf32, #tpu.memory_space<smem>>
    %swap3A_149 = arith.constant 2 : index
    %swap3A_150 = memref.load %arg8[%swap3A_149] : memref<8xf32, #tpu.memory_space<smem>>
    memref.store %max3A_119, %arg8[%swap3A_149] : memref<8xf32, #tpu.memory_space<smem>>
    %get3A_151 = arith.constant 5 : index
    %get3A_152 = memref.load %arg8[%get3A_151] : memref<8xf32, #tpu.memory_space<smem>>
    %add3A_153 = arith.addf %get3A_152, %neg3A_59 : f32
    %swap3A_154 = arith.constant 5 : index
    %swap3A_155 = memref.load %arg8[%swap3A_154] : memref<8xf32, #tpu.memory_space<smem>>
    memref.store %add3A_153, %arg8[%swap3A_154] : memref<8xf32, #tpu.memory_space<smem>>
    %get3A_156 = arith.constant 6 : index
    %get3A_157 = memref.load %arg8[%get3A_156] : memref<8xf32, #tpu.memory_space<smem>>
    %add3A_158 = arith.addf %get3A_157, %reduce_sum3A_78 : f32
    %swap3A_159 = arith.constant 6 : index
    %swap3A_160 = memref.load %arg8[%swap3A_159] : memref<8xf32, #tpu.memory_space<smem>>
    memref.store %add3A_158, %arg8[%swap3A_159] : memref<8xf32, #tpu.memory_space<smem>>
    %eq3A_161 = arith.constant 7 : i32
    %eq3A_162 = arith.cmpi eq, %arg0, %eq3A_161 : i32
    %convert_element_type3A_163 = arith.extui %eq3A_162 : i1 to i32
    %cond3A_164 = arith.constant 0 : i32
    %cond3A_165 = arith.cmpi ne, %convert_element_type3A_163, %cond3A_164 : i32
    scf.if %cond3A_165 {
      %get3A_166 = arith.constant 0 : index
      %get3A_167 = memref.load %arg8[%get3A_166] : memref<8xf32, #tpu.memory_space<smem>>
      %get3A_168 = arith.constant 1 : index
      %get3A_169 = memref.load %arg8[%get3A_168] : memref<8xf32, #tpu.memory_space<smem>>
      %log3A_170 = math.log %get3A_169 : f32
      %add3A_171 = arith.addf %get3A_167, %log3A_170 : f32
      %get3A_172 = arith.constant 2 : index
      %get3A_173 = memref.load %arg8[%get3A_172] : memref<8xf32, #tpu.memory_space<smem>>
      %get3A_174 = arith.constant 3 : index
      %get3A_175 = memref.load %arg8[%get3A_174] : memref<8xf32, #tpu.memory_space<smem>>
      %log3A_176 = math.log %get3A_175 : f32
      %add3A_177 = arith.addf %get3A_173, %log3A_176 : f32
      %get3A_178 = arith.constant 4 : index
      %get3A_179 = memref.load %arg8[%get3A_178] : memref<8xf32, #tpu.memory_space<smem>>
      %get3A_180 = arith.constant 3 : index
      %get3A_181 = memref.load %arg8[%get3A_180] : memref<8xf32, #tpu.memory_space<smem>>
      %div3A_182 = arith.divf %get3A_179, %get3A_181 : f32
      %add3A_183 = arith.addf %div3A_182, %add3A_171 : f32
      %sub3A_184 = arith.subf %add3A_183, %add3A_177 : f32
      %mul3A_185 = arith.constant 6.10351563E-5 : f32
      %mul3A_186 = arith.mulf %sub3A_184, %mul3A_185 : f32
      %get3A_187 = arith.constant 5 : index
      %get3A_188 = memref.load %arg8[%get3A_187] : memref<8xf32, #tpu.memory_space<smem>>
      %get3A_189 = arith.constant 6 : index
      %get3A_190 = memref.load %arg8[%get3A_189] : memref<8xf32, #tpu.memory_space<smem>>
      %add3A_191 = arith.addf %get3A_188, %get3A_190 : f32
      %mul3A_192 = arith.constant 6.10351563E-5 : f32
      %mul3A_193 = arith.mulf %add3A_191, %mul3A_192 : f32
      %sub3A_194 = arith.constant 1.000000e+00 : f32
      %sub3A_195 = arith.subf %sub3A_194, %get3A_16 : f32
      %mul3A_196 = arith.mulf %sub3A_195, %mul3A_186 : f32
      %add3A_197 = arith.addf %mul3A_193, %mul3A_196 : f32
      %broadcast_in_dim3A_198 = vector.broadcast %add3A_197 : f32 to vector<1x1xf32>
      %swap3A_199 = arith.constant 0 : index
      %swap3A_200 = arith.constant 0 : index
      %swap3A_201 = vector.load %arg7[%swap3A_199, %swap3A_200] : memref<1x1xf32, #tpu.memory_space<vmem>>, vector<1x1xf32>
      tpu.vector_store %arg7[%swap3A_199, %swap3A_200], %broadcast_in_dim3A_198 {strides = array<i32>} : memref<1x1xf32, #tpu.memory_space<vmem>>, vector<1x1xf32>,
    } else {
    }
    return
  }
  func.func @transform_0(%arg0: i32) -> (i32, i32) {
    %c0_i32 = arith.constant 0 : i32
    %c0_i32_0 = arith.constant 0 : i32
    %c0_i32_1 = arith.constant 0 : i32
    return %c0_i32, %c0_i32_0 : i32, i32
  }
  func.func @transform_1(%arg0: i32) -> (i32, i32) {
    %c0_i32 = arith.constant 0 : i32
    %c0_i32_0 = arith.constant 0 : i32
    return %arg0, %c0_i32 : i32, i32
  }
  func.func @transform_2(%arg0: i32) -> (i32, i32) {
    %c0_i32 = arith.constant 0 : i32
    %c0_i32_0 = arith.constant 0 : i32
    return %arg0, %c0_i32 : i32, i32
  }
  func.func @transform_3(%arg0: i32) -> (i32, i32) {
    %c0_i32 = arith.constant 0 : i32
    %c0_i32_0 = arith.constant 0 : i32
    return %arg0, %c0_i32 : i32, i32
  }
  func.func @transform_4(%arg0: i32) -> (i32, i32) {
    %c0_i32 = arith.constant 0 : i32
    %c0_i32_0 = arith.constant 0 : i32
    return %arg0, %c0_i32 : i32, i32
  }
  func.func @transform_5(%arg0: i32) -> (i32, i32) {
    %c0_i32 = arith.constant 0 : i32
    %c0_i32_0 = arith.constant 0 : i32
    %c0_i32_1 = arith.constant 0 : i32
    return %c0_i32, %c0_i32_0 : i32, i32
  }
  func.func @transform_6(%arg0: i32) -> (i32, i32) {
    %c0_i32 = arith.constant 0 : i32
    %c0_i32_0 = arith.constant 0 : i32
    %c0_i32_1 = arith.constant 0 : i32
    return %c0_i32, %c0_i32_0 : i32, i32
  }
}

</mosaic_0001>

<sc_bundles>
// kernel: kernel.5.cloned.1.call-start
scs
__scs_entry_jumppad:
0x0: {  	(pc) =	sbr.rel $0x88, $3  }
0x1: {  	(tag) =	ssettag $0x0;
	lr =	simm.s32 $0x1  }
0x2: {  	[smem:$0x3F9A] =	sst lr;
	_ =	strace $0xD0000000  }
0x3: {  	_ = 	snop  }
0x4: {  	_ = 	snop  }
0x5: {  	_ = 	snop  }
0x6: {  	_ = 	snop  }
0x7: {  	_ = 	snop  }
__scs_overlays_trampoline_lowered:
0x8: {  	[smem:$0x3FA9] =	sst s0  }
0x9: {  	[smem:$0x3FAA] =	sst s1  }
0xa: {  	[smem:$0x3FAB] =	sst s2  }
0xb: {  	[smem:$0x3FAC] =	sst s3  }
0xc: {  	[smem:$0x3FAD] =	sst s4  }
0xd: {  	[smem:$0x3FAE] =	sst s5  }
0xe: {  	[smem:$0x3FAF] =	sst s6  }
0xf: {  	[smem:$0x3FB0] =	sst s7  }
0x10: {  	[smem:$0x3FB1] =	sst s8  }
0x11: {  	[smem:$0x3FB2] =	sst s9;
	s0 =	simm.s32 @!p0 $0x0  }
0x12: {  	s1 =	sld [smem:$0x3F98];
	s0 =	simm.s32 @p0 $0x1  }
0x13: {  	[smem:$0x3FB3] =	sst s0;
	s0 =	simm.s32 @!p1 $0x0  }
0x14: {  	s2 =	sld [smem:$0x3F97];
	s0 =	simm.s32 @p1 $0x1  }
0x15: {  	[smem:$0x3FB4] =	sst s0;
	s0 =	simm.s32 @!p2 $0x0  }
0x16: {  	s3 =	sld [smem:$0x3FDB];
	s0 =	simm.s32 @p2 $0x1  }
0x17: {  	s4 =	simm.s32 $0x1BF5;
	[smem:$0x3FB6] =	sst s0  }
0x18: {  	s0 =	sld [smem:$0x3F99];
	_ =	swait.ge [sflag:s4], $0x0  }
0x19: {  	s7 =	sld [smem:$0x3F9A]  }
0x1a: {  	s8 =	sadd.s32 $0xFFFFE003, lr  }
0x1b: {  	s9 =	sadd.s32 $0xFFFFFEF7, lr;
	s5 =	simm.s32 $0xFFFFFFFF;
	p2 =	slt.u32 s8, $0xFFFFF086  }
0x1c: {  	p1 =	slt.u32 s9, $0xF7A;
	s5 =	simm.s32 @!p2 $0x0  }
0x1d: {  	s5 =	simm.s32 @p1 $0x1;
	p0 =	seq.s32 s7, s2  }
0x1e: {  	s7 =	smul.u32 @!p0 $0xF7A, s2;
	p2 =	seq.s32 @!p0 s5, $0x0  }
0x1f: {  	s9 =	smul.u32 $0xF7A, s1;
	s8 =	simm.s32 @!p0 $0x1BF5;
	p2 =	por !p2, p0  }
0x20: {  	[sflag:s8] =	ssyncset.s32 @!p0 $0xFFFFF086;
	s6 =	sadd.s32 @!p0 s3, s7;
	s7 =	simm.s32 @!p0 $0x108  }
0x21: {  	s3 =	sadd.s32 s3, s9;
	s6 =	sadd.s32 @!p0 $0x88, s6;
	s7 =	simm.s32 @p2 $0x1082  }
0x22: {  	[simem:s7], [sflag:s8] =	dma.local @!p0 [hbm:s6], $0xF7A  }
0x23: {  	s9 =	sor.u32 $0xD0000000, s2;
	s6 =	simm.s32 $0x108;
	_ =	swait.ge @!p0 [sflag:s8], $0x0  }
0x24: {  	s3 =	sadd.s32 $0x88, s3;
	s6 =	simm.s32 @!p1 $0x1082;
	[sflag:s4] =	ssyncset.s32 $0xFFFFF086  }
0x25: {  	[simem:s6], [sflag:s4] =	dma.local [hbm:s3], $0xF7A  }
0x26: {  	[smem:$0x3F9A] =	sst s1;
	(tag) =	ssettag s2;
	_ =	strace s9  }
0x27: {  	s1 =	sld [smem:$0x3FAA]  }
0x28: {  	s2 =	sld [smem:$0x3FAB]  }
0x29: {  	s4 =	sld [smem:$0x3FAD]  }
0x2a: {  	p0 =	seq.s32 s5, $0x0;
	s5 =	sld [smem:$0x3FAE]  }
0x2b: {  	s6 =	sld [smem:$0x3FAF]  }
0x2c: {  	s7 =	sld [smem:$0x3FB0]  }
0x2d: {  	s3 =	simm.s32 $0x108;
	s8 =	sld [smem:$0x3FB1]  }
0x2e: {  	s3 =	simm.s32 @!p0 $0x1082;
	s9 =	sld [smem:$0x3FB2]  }
0x2f: {  	lr =	sadd.s32 s0, s3;
	s0 =	sld [smem:$0x3FA9]  }
0x30: {  	s3 =	sld [smem:$0x3FAC]  }
0x31: {  	[smem:$0x3FB5] =	sst s10  }
0x32: {  	s10 =	sld [smem:$0x3FB3];
	_ =	sdelay $0x3  }
0x33: {  	p0 =	seq.s32 s10, $0x1;
	s10 =	sld [smem:$0x3FB5];
	_ =	sdelay $0x3  }
0x34: {  	[smem:$0x3FB5] =	sst s10  }
0x35: {  	s10 =	sld [smem:$0x3FB4];
	_ =	sdelay $0x3  }
0x36: {  	p1 =	seq.s32 s10, $0x1;
	s10 =	sld [smem:$0x3FB5];
	_ =	sdelay $0x3  }
0x37: {  	[smem:$0x3FB5] =	sst s10  }
0x38: {  	s10 =	sld [smem:$0x3FB6]  }
0x39: {  	_ = 	snop;
	(pc) =	sbr.ind lr, $3  }
0x3a: {  	_ = 	snop  }
0x3b: {  	_ = 	snop  }
0x3c: {  	p2 =	seq.s32 s10, $0x1;
	s10 =	sld [smem:$0x3FB5]  }
0x3d: {  	_ =	shalt  }
0x3e: {  	_ =	shalt  }
0x3f: {  	_ =	shalt  }
0x40: {  	_ =	shalt  }
0x41: {  	_ =	shalt  }
0x42: {  	_ =	shalt  }
0x43: {  	_ =	shalt  }
0x44: {  	_ =	shalt  }
0x45: {  	_ =	shalt  }
0x46: {  	_ =	shalt  }
0x47: {  	_ =	shalt  }
0x48: {  	_ =	shalt  }
0x49: {  	_ =	shalt  }
0x4a: {  	_ =	shalt  }
0x4b: {  	_ =	shalt  }
0x4c: {  	_ =	shalt  }
0x4d: {  	_ =	shalt  }
0x4e: {  	_ =	shalt  }
0x4f: {  	_ =	shalt  }
0x50: {  	_ =	shalt  }
0x51: {  	_ =	shalt  }
0x52: {  	_ =	shalt  }
0x53: {  	_ =	shalt  }
0x54: {  	_ =	shalt  }
0x55: {  	_ =	shalt  }
0x56: {  	_ =	shalt  }
0x57: {  	_ =	shalt  }
0x58: {  	_ =	shalt  }
0x59: {  	_ =	shalt  }
0x5a: {  	_ =	shalt  }
0x5b: {  	_ =	shalt  }
0x5c: {  	_ =	shalt  }
0x5d: {  	_ =	shalt  }
0x5e: {  	_ =	shalt  }
0x5f: {  	_ =	shalt  }
0x60: {  	_ =	shalt  }
0x61: {  	_ =	shalt  }
0x62: {  	_ =	shalt  }
0x63: {  	_ =	shalt  }
0x64: {  	_ =	shalt  }
0x65: {  	_ =	shalt  }
0x66: {  	_ =	shalt  }
0x67: {  	_ =	shalt  }
0x68: {  	_ =	shalt  }
0x69: {  	_ =	shalt  }
0x6a: {  	_ =	shalt  }
0x6b: {  	_ =	shalt  }
0x6c: {  	_ =	shalt  }
0x6d: {  	_ =	shalt  }
0x6e: {  	_ =	shalt  }
0x6f: {  	_ =	shalt  }
0x70: {  	_ =	shalt  }
0x71: {  	_ =	shalt  }
0x72: {  	_ =	shalt  }
0x73: {  	_ =	shalt  }
0x74: {  	_ =	shalt  }
0x75: {  	_ =	shalt  }
0x76: {  	_ =	shalt  }
0x77: {  	_ =	shalt  }
0x78: {  	_ =	shalt  }
0x79: {  	_ =	shalt  }
0x7a: {  	_ =	shalt  }
0x7b: {  	_ =	shalt  }
0x7c: {  	_ =	shalt  }
0x7d: {  	_ =	shalt  }
0x7e: {  	_ =	shalt  }
0x7f: {  	_ =	shalt  }
0x80: {  	_ =	shalt  }
0x81: {  	_ =	shalt  }
0x82: {  	_ =	shalt  }
0x83: {  	_ =	shalt  }
0x84: {  	_ =	shalt  }
0x85: {  	_ =	shalt  }
0x86: {  	_ =	shalt  }
0x87: {  	_ =	shalt  }
.Lfunc_end0:
.L_simem_size_0:
called_computation_lowered:
.L_overlay_start_0:
0x88: {  	s2 =	sld [smem:$0x3FD9]  }
0x89: {  	s3 =	sld [smem:$0x3FFE];
	_ =	sdelay $0x1  }
0x8a: {  	s1 =	srdreg.scid  }
0x8b: {  	s0 =	sand.u32 $0x1, s1  }
0x8c: {  	s17 =	sshll.u32 s0, $0xA;
	s2 =	sadd.s32 s3, s2  }
0x8d: {  	s2 =	sadd.s32 s2, s17  }
0x8e: {  	[smem:$0x3FC1] =	sst s2  }
0x8f: {  	_ = 	snop  }
0x90: {  	s2 =	sld [smem:$0x3FC3];
	(tm) =	ssettm $0x1  }
0x91: {  	s18 =	sld [smem:$0x3FFB];
	_ =	sdelay $0x3  }
0x92: {  	_ =	strace s18  }
0x93: {  	s3 =	sld [smem:$0x3FFC];
	_ =	sdelay $0x3  }
0x94: {  	_ =	strace s3  }
0x95: {  	s3 =	sld [smem:$0x3FFD];
	_ =	sdelay $0x3  }
0x96: {  	_ =	strace s3  }
0x97: {  	_ =	strace $0x8FFFFFFF  }
0x98: {  	s19 =	sld [smem:$0x3FDB];
	_ =	sdelay $0x1  }
0x99: {  	s4 =	simm.s32 $_scs_section_size  }
0x9a: {  	s5 =	simm.s32 $_size__tile_overlayer_lowered;
	s6 =	simm.s32 $_tile_overlayer_lowered  }
0x9b: {  	s22 =	simm.s32 $0x1BFF;
	s21 =	sshll.u32 s6, $0x1;
	s3 =	sadd.s32 s4, s19  }
0x9c: {  	s7 =	simm.s32 $0x0;
	s20 =	sshll.u32 s5, $0x1;
	s5 =	sadd.s32 s21, s3  }
0x9d: {  	[timem:s7], [sflag:s22] =	dma.local [hbm:s5], s20  }
0x9e: {  	_ =	swait.ge [sflag:s22], s20  }
0x9f: {  	s4 =	ssub.s32 $0x0, s20;
	[sflag:s22] =	ssyncset.done $0x0  }
0xa0: {  	[sflag:s22] =	ssyncadd.s32 s4;
	_ =	sdelay $0x1  }
0xa1: {  	s23 =	simm.s32 $0x1B8B  }
0xa2: {  	_ =	swait.ge [sflag:s23], $0x1  }
0xa3: {  	[sflag:s23] =	ssyncset.done $0x0  }
0xa4: {  	s25 =	simm.s32 $0x1B8E;
	s24 =	sld [smem:$0x3FFE];
	[sflag:s23] =	ssyncadd.s32 $0xFFFFFFFF  }
0xa5: {  	s26 =	simm.s32 $execute0_lowered;
	[smem:$0x3FD2] =	sst s25  }
0xa6: {  	s5 =	sshll.u32 s26, $0x1;
	_ =	strace $0x80000046;
	[dreg:$0x1] =	wrdreg $0xFFFFFFFF  }
0xa7: {  	s28 =	simm.s32 $_size_execute0_lowered;
	s3 =	sadd.s32 s3, s5;
	[dreg:$0x0] =	wrdreg $0x0  }
0xa8: {  	s5 =	sshll.u32 s28, $0x1;
	[dreg:$0x2] =	wrdreg s3  }
0xa9: {  	[dreg:$0x3] =	wrdreg s5  }
0xaa: {  	[dreg:$0x4] =	wrdreg $0xC0  }
0xab: {  	_ =	task [dreg:s7], $0x5FFFF  }
0xac: {  	[dreg:$0x1] =	wrdreg $0xFFFFFFFF  }
0xad: {  	[dreg:$0x0] =	wrdreg $0x60  }
0xae: {  	[dreg:$0x2] =	wrdreg s24  }
0xaf: {  	[dreg:$0x3] =	wrdreg s2  }
0xb0: {  	[dreg:$0x4] =	wrdreg $0x9  }
0xb1: {  	_ =	task.clear_ibuf [dreg:s7], $0x5FFFF;
	_ =	strace $0x90000046  }
0xb2: {  	s29 =	simm.s32 $0x9;
	_ =	strace $0x80000048  }
0xb3: {  	_ =	swait.ge [sflag:s29], $0x1  }
0xb4: {  	[sflag:s29] =	ssyncadd.s32 $0xFFFFFFFF  }
0xb5: {  	_ =	strace $0x90000048  }
0xb6: {  	_ =	sfence  }
0xb7: {  	s30 =	sld [smem:$0x0];
	_ =	sdelay $0x2  }
0xb8: {  	s31 =	sshll.u32 s1, $0xD;
	s1 =	sshrl.u32 s1, $0x2  }
0xb9: {  	s3 =	sand.u32 $0x4000, s31;
	s1 =	sadd.s32 s1, s30  }
0xba: {  	s0 =	sor.u32 s3, s0;
	s1 =	sshll.u32 s1, $0x11  }
0xbb: {  	s0 =	sor.u32 s1, s0  }
0xbc: {  	s0 =	sadd.s32 $0x8F2B, s0  }
0xbd: {  	[sflag:s0] =	ssyncadd.remote.s32 $0x1  }
0xbe: {  	_ =	sfence.sel $0xFFFF  }
0xbf: {  	[dreg:$0x0] =	wrdreg $0xFFFFFFFF;
	(pc) =	sbr.abs _section_cstart, $3  }
0xc0: {  	[dreg:$0x1] =	wrdreg $0xFFFFFFFF  }
0xc1: {  	_ =	task.clear_ibuf [dreg:s7], $0x2FFFF;
	_ =	strace $0x9FFFFFFF  }
0xc2: {  	(tm) =	ssettm $0x7FFFFFFF  }
0xc3: {  	_ =	shalt  }
tec
execute0_lowered:
.L_overlay_start_1:
0x0: {  	(tag) =	ssettag $0x1  }
0x1: {  	s8 =	rddreg [dreg:$0x0]  }
0x2: {  	s3 =	rddreg [dreg:$0x1]  }
0x3: {  	s2 =	srdreg.scid;
	s0 =	rddreg [dreg:$0x2]  }
0x4: {  	s1 =	stileid.u32;
	s7 =	simm.s32 $0x1;
	s6 =	sand.u32 $0x1, s2  }
0x5: {  	s2 =	simm.s32 $0x0;
	s4 =	sshll.u32 s1, $0x7;
	s5 =	sshll.u32 s6, $0x6  }
0x6: {  	[smem:$0x7FF] =	sst s2;
	s10 =	ssub.s32 $0x2, s6;
	s9 =	sor.u32 s5, s4  }
0x7: {  	_ =	strace $0x80000047;
	s4 =	sadd.s32 s3, s9;
	s3 =	simm.s32 $0x2  }
0x8: {  	[tilespmem:s2], [sflag:$0x2] =	stream.linear.gather [hbm4b:s4+s2], $0x200, $0x38;
	[tilespmem:$0x400] =	vst v63  }
0x9: {  	s6 =	simm.s32 $0x200;
	s11 =	sshrl.u32 s10, $0x1;
	_ =	swait.ge [sflag:s3], $0x200  }
0xa: {  	s5 =	sadd.s32 $0x600, s8;
	s31 =	ssub.s32 s10, s11;
	[sflag:s3] =	ssyncset.done $0x0  }
0xb: {  	s8 =	sadd.s32 s9, s8;
	s9 =	smax.u32 s31, $0x1;
	[sflag:s3] =	ssyncadd.s32 $0xFFFFFE00  }
0xc: {  	[tilespmem:s6], [sflag:$0x1] =	stream.indirect.gather [hbm4b:s5+s6], $0x1, s2, s6, $0xb8;
	[tilespmem:$0x400] =	vst v63  }
0xd: {  	p0 =	sne.s32 s9, $0x1;
	_ =	swait.ge [sflag:s7], $0x200  }
.Ltmp0:
0xe: {  	[sflag:s7] =	ssyncset.done $0x0;
	(pc) =	sbr.rel @!p0 .LBB2_2-.Ltmp0, $4  }
0xf: {  	s8 =	sadd.s32 $0x1F000, s8;
	[sflag:s7] =	ssyncadd.s32 $0xFFFFFE00  }
0x10: {  	[hbm4b:s8+s2] =	stream.linear.scatter [tilespmem:s6], [sflag:$0x2], $0x200, $0x38;
	[tilespmem:$0x400] =	vst v63  }
0x11: {  	_ =	swait.ge [sflag:s3], $0x200  }
0x12: {  	s9 =	sadd.s32 $0xFFFFFFFF, s9;
	[sflag:s3] =	ssyncset.done $0x0  }
.LBB2_1:
0x13: {  	p0 =	sne.s32 s9, $0x1;
	s9 =	sadd.s32 $0xFFFFFFFF, s9;
	[sflag:s3] =	ssyncadd.s32 $0xFFFFFE00  }
0x14: {  	[tilespmem:s2], [sflag:$0x2] =	stream.linear.gather [hbm4b:s4+s2], $0x200, $0x38;
	[tilespmem:$0x400] =	vst v63  }
0x15: {  	_ =	swait.ge [sflag:s3], $0x200  }
0x16: {  	[sflag:s3] =	ssyncset.done $0x0  }
0x17: {  	[sflag:s3] =	ssyncadd.s32 $0xFFFFFE00  }
0x18: {  	[tilespmem:s6], [sflag:$0x1] =	stream.indirect.gather [hbm4b:s5+s6], $0x1, s2, s6, $0xb8;
	[tilespmem:$0x400] =	vst v63  }
0x19: {  	_ =	swait.ge [sflag:s7], $0x200  }
.Ltmp1:
0x1a: {  	[sflag:s7] =	ssyncset.done $0x0;
	(pc) =	sbr.rel @p0 .LBB2_1-.Ltmp1, $4  }
0x1b: {  	[sflag:s7] =	ssyncadd.s32 $0xFFFFFE00  }
0x1c: {  	[hbm4b:s8+s2] =	stream.linear.scatter [tilespmem:s6], [sflag:$0x2], $0x200, $0x38;
	[tilespmem:$0x400] =	vst v63  }
0x1d: {  	_ =	swait.ge [sflag:s3], $0x200  }
0x1e: {  	[sflag:s3] =	ssyncset.done $0x0  }
.LBB2_2:
0x1f: {  	[sflag:s3] =	ssyncadd.s32 $0xFFFFFE00  }
0x20: {  	_ =	sfence.sel $0x180000  }
0x21: {  	[bflag:$0x0] =	sbarrier.arrive $0xFFFF  }
0x22: {  	p0 =	sne.s32 s1, $0x0;
	_ =	strace $0x90000047  }
0x23: {  	s0 =	sadd.s32 @!p0 $0x100000, s0;
	[bflag:$0x2] =	sbarrier.arrive $0xFFFF  }
0x24: {  	[sflag:s0] =	ssyncadd.tile.s32 @!p0 $0x1;
	_ =	shalt  }
.Lfunc_end2:
_tile_overlayer_lowered:
.L_overlay_start_2:
0x25: {  	(tag) =	ssettag $0x2  }
0x26: {  	s0 =	rddreg [dreg:$0x0];
	s2 =	stileid.u32  }
0x27: {  	s1 =	rddreg [dreg:$0x1];
	p0 =	sne.s32 s2, $0x0  }
0x28: {  	s3 =	rddreg [dreg:$0x2];
	[bflag:$0x3] =	sbarrier.arrive $0xFFFF;
	s2 =	simm.s32 @!p0 $0x1C02  }
0x29: {  	[timem:s3], [sflag:s2] =	dma.local @!p0 [hbm:s0], s1  }
0x2a: {  	s0 =	simm.s32 @!p0 $0x2  }
0x2b: {  	_ =	swait.ge @!p0 [sflag:s0], s1  }
0x2c: {  	s1 =	ssub.s32 @!p0 $0x0, s1;
	[sflag:s0] =	ssyncset.done @!p0 $0x0  }
0x2d: {  	[sflag:s0] =	ssyncadd.s32 @!p0 s1  }
0x2e: {  	[bflag:$0x3] =	sbarrier.arrive $0xFFFF  }
0x2f: {  	_ =	shalt  }

</sc_bundles>
